<compile_context>
chip_gen: v7x
topology: tpu7x:2x2x1
jax: 0.10.2.dev20260603
libtpu: 0.0.44.dev20260713+nightly
codegen_flags: <defaults>
</compile_context>

<pallas_src>
import numpy as np
import jax
import jax.numpy as jnp
from jax import lax
from jax.experimental import pallas as pl
from jax.experimental.pallas import tpu as pltpu
from jax.experimental.pallas import tpu_sc as plsc

_LENS = (4, 9, 6, 9, 4, 9, 6, 9)
_G = len(_LENS)
_MAXP = max(_LENS)
_T = 1024
_D = 768
_N = sum(_LENS)
_PPW = 4
_NWORK = _N // _PPW
_LANES = 16


def _static_maps():
    src = np.zeros((_G, _MAXP), dtype=np.int32)
    valid = np.zeros((_G, _MAXP), dtype=np.int32)
    off = 0
    for g, n in enumerate(_LENS):
        for j in range(_MAXP):
            src[g, j] = off + min(j, n - 1)
            valid[g, j] = 1 if j < n else 0
        off += n
    return src.reshape(-1), valid.reshape(-1)


_SRC, _VALID = _static_maps()


def _sc_pe_body(hw_hbm, idx_hbm, pe_hbm, idx_v, rows_v, pe_v, sem):
    wid = lax.axis_index("s")

    @pl.when(wid < _NWORK)
    def _():
        base = wid * _PPW
        pltpu.sync_copy(idx_hbm, idx_v)
        pltpu.async_copy(hw_hbm.at[idx_v.at[wid]], rows_v, sem).wait()

        for p in range(_PPW):
            def chunk(i, _):
                sl = pl.ds(i * _LANES, _LANES)
                pe_v[p, sl] = (rows_v[p, sl] + rows_v[p + _PPW, sl]) * 0.5
                return 0
            lax.fori_loop(0, _D // _LANES, chunk, 0)

        pltpu.sync_copy(pe_v, pe_hbm.at[pl.ds(base, _PPW)])


def _sc_pe(hw_table, idx):
    mesh = plsc.VectorSubcoreMesh(core_axis_name="c", subcore_axis_name="s",
                                  num_cores=1)
    return pl.kernel(
        _sc_pe_body,
        mesh=mesh,
        out_type=jax.ShapeDtypeStruct((_N, _D), jnp.float32),
        scratch_types=[
            pltpu.VMEM((_NWORK, 2 * _PPW), jnp.int32),
            pltpu.VMEM((2 * _PPW, _D), jnp.float32),
            pltpu.VMEM((_PPW, _D), jnp.float32),
            pltpu.SemaphoreType.DMA,
        ],
    )(hw_table, idx)


def _tc_body(src_ref, valid_ref, pe_ref, x_ref, out_ref, mask_ref):
    g = pl.program_id(0)
    j = pl.program_id(1)
    i = g * _MAXP + j
    v = valid_ref[i]
    s = src_ref[i]

    @pl.when(v == 1)
    def _():
        out_ref[...] = x_ref[...] + pe_ref[s, :][None, None, :]
        mask_ref[...] = jnp.ones_like(mask_ref)

    @pl.when(v == 0)
    def _():
        out_ref[...] = jnp.zeros_like(out_ref)
        mask_ref[...] = jnp.zeros_like(mask_ref)


def kernel(query_embeds, encoder_hidden_states, patch_positions,
           height_embedding, width_embedding):
    del query_embeds

    src = jnp.asarray(_SRC)
    valid = jnp.asarray(_VALID)
    pos = patch_positions.astype(jnp.int32)
    hidx = pos[:, 0].reshape(_NWORK, _PPW)
    widx = pos[:, 1].reshape(_NWORK, _PPW)
    hw_table = jnp.concatenate([height_embedding, width_embedding], axis=0)
    idx = jnp.concatenate([hidx, widx + height_embedding.shape[0]], axis=1)

    pe = _sc_pe(hw_table, idx)

    grid_spec = pltpu.PrefetchScalarGridSpec(
        num_scalar_prefetch=2,
        grid=(_G, _MAXP),
        in_specs=[
            pl.BlockSpec((_N, _D), lambda g, j, src, valid: (0, 0)),
            pl.BlockSpec((1, _T, _D),
                         lambda g, j, src, valid: (src[g * _MAXP + j], 0, 0)),
        ],
        out_specs=[
            pl.BlockSpec((1, _T, _D), lambda g, j, src, valid: (g, j, 0)),
            pl.BlockSpec((1, 1, 1, _T), lambda g, j, src, valid: (g, j, 0, 0)),
        ],
    )

    padded, mask4 = pl.pallas_call(
        _tc_body,
        grid_spec=grid_spec,
        out_shape=[
            jax.ShapeDtypeStruct((_G, _MAXP * _T, _D), jnp.float32),
            jax.ShapeDtypeStruct((_G, _MAXP, 1, _T), jnp.int32),
        ],
    )(src, valid, pe, encoder_hidden_states)

    return padded, mask4.reshape(_G, _MAXP * _T)

# --- scband reference (transcript-rebuilt; emitter-appended) ---
"""Pipeline reference for scband-ureader-abstractor-embeddings-20804821582249 (READ-ONLY COPY).

The authoritative reference and input builder live on the scoring server;
editing this copy changes nothing except your own understanding.
"""

import jax, jax.numpy as jnp
import numpy as np

CUT_NUM = 15
D = 768
T = 1024
LENS = [4, 9, 6, 9, 4, 9, 6, 9]

def _make_positions():
    pos = []
    for n in LENS:
        w = 3
        for k in range(n):
            pos.append((k // w, k % w))
    return np.array(pos, dtype=np.int32)

def setup_inputs(seed: int = 0):
    key = jax.random.key(seed)
    k1, k2, k3, k4 = jax.random.split(key, 4)
    patch_positions = jnp.asarray(_make_positions())
    N = patch_positions.shape[0]
    encoder_hidden_states = jax.random.normal(k1, (N, T, D), dtype=jnp.float32)
    query_embeds = jax.random.normal(k2, (8, 64, D), dtype=jnp.float32)
    height_embedding = jax.random.normal(k3, (CUT_NUM, D), dtype=jnp.float32) * 0.02
    width_embedding = jax.random.normal(k4, (CUT_NUM, D), dtype=jnp.float32) * 0.02
    return {"query_embeds": query_embeds, "encoder_hidden_states": encoder_hidden_states, "patch_positions": patch_positions, "height_embedding": height_embedding, "width_embedding": width_embedding}

def reference(query_embeds, encoder_hidden_states, patch_positions, height_embedding, width_embedding):
    # patch_pos_embed_type == 'pre', enable_vit_cut_embedding == False branch
    N, T_, D_ = encoder_hidden_states.shape
    pe = (jnp.take(height_embedding, patch_positions[:, 0], axis=0) + jnp.take(width_embedding, patch_positions[:, 1], axis=0)) * 0.5
    patch_embedding = encoder_hidden_states + pe[:, None, :]  # repeat over num_token dim
    pp = _make_positions()
    cut_index = np.nonzero((pp == 0).all(axis=1))[0].tolist()
    groups = []
    for ci, cut in enumerate(cut_index):
        end = N if ci == len(cut_index) - 1 else cut_index[ci + 1]
        groups.append(patch_embedding[cut:end].reshape(-1, D_))  # (num_patch*num_token, D)
    max_len = max(int(g.shape[0]) for g in groups)
    padded = jnp.stack([jnp.pad(g, ((0, max_len - int(g.shape[0])), (0, 0))) for g in groups])
    mask = jnp.stack([jnp.pad(jnp.ones((int(g.shape[0]),), dtype=jnp.int32), (0, max_len - int(g.shape[0]))) for g in groups])
    return padded, mask

if __name__ == "__main__":
    import jax
    _d = setup_inputs()
    print(jax.jit(kernel)(*tuple(_d.values())))

</pallas_src>

<mosaic_0001>
#map = affine_map<(d0, d1) -> (0, 0)>
module attributes {stable_mosaic.version = 14 : i64} {
  func.func @_sc_pe_body(%arg0: i32, %arg1: i32, %arg2: memref<30x768xf32, #tpu.memory_space<hbm>>, %arg3: memref<14x8xi32, #tpu.memory_space<hbm>>, %arg4: memref<56x768xf32, #tpu.memory_space<hbm>>, %arg5: memref<14x8xi32, #tpu.memory_space<vmem>>, %arg6: memref<8x768xf32, #tpu.memory_space<vmem>>, %arg7: memref<4x768xf32, #tpu.memory_space<vmem>>, %arg8: memref<!tpu.dma_semaphore, #tpu.memory_space<semaphore_mem>>) attributes {dimension_semantics = [#tpu.dimension_semantics<core_parallel>, #tpu.dimension_semantics<subcore_parallel>], iteration_bounds = array<i64: 1, 16>, scalar_prefetch = 0 : i64, scratch_operands = 4 : i64, tpu.core_type = #tpu.core_type<sc_vector_subcore>, window_params = [{transform_indices = #map}, {transform_indices = #map}, {transform_indices = #map}]} {
    %lt3A = arith.constant 14 : i32
    %lt3A_0 = arith.cmpi slt, %arg1, %lt3A : i32
    %convert_element_type3A = arith.extui %lt3A_0 : i1 to i32
    %cond3A = arith.constant 0 : i32
    %cond3A_1 = arith.cmpi ne, %convert_element_type3A, %cond3A : i32
    scf.if %cond3A_1 {
      %mul3A = arith.constant 4 : i32
      %mul3A_2 = arith.muli %arg1, %mul3A : i32
      "tpu.region"() ({
        %run_scoped3A = tpu.sem_alloc : memref<!tpu.dma_semaphore, #tpu.memory_space<semaphore_mem>>
        tpu.enqueue_dma source(%arg3 : memref<14x8xi32, #tpu.memory_space<hbm>>) target(%arg5 : memref<14x8xi32, #tpu.memory_space<vmem>>) target_semaphore(%run_scoped3A : memref<!tpu.dma_semaphore, #tpu.memory_space<semaphore_mem>>)
        tpu.wait_dma2 semaphore(%run_scoped3A : memref<!tpu.dma_semaphore, #tpu.memory_space<semaphore_mem>>) src(%arg3 : memref<14x8xi32, #tpu.memory_space<hbm>>) dst(%arg5 : memref<14x8xi32, #tpu.memory_space<vmem>>)
        tpu.yield
      }) : () -> ()
      %dma_start3A = arith.constant 0 : i32
      %dma_start3A_3 = tpu.memref_slice %arg5[%arg1, %dma_start3A] : memref<14x8xi32, #tpu.memory_space<vmem>> -> memref<1x8xi32, #tpu.memory_space<vmem>>
      %dma_start3A_4 = tpu.memref_squeeze %dma_start3A_3 : memref<1x8xi32, #tpu.memory_space<vmem>> -> memref<8xi32, #tpu.memory_space<vmem>>
      %dma_start3A_5 = arith.constant 0 : i32
      %dma_start3A_6 = arith.constant 0 : i32
      %dma_start3A_7 = tpu.memref_slice %arg2[%dma_start3A_5, %dma_start3A_6] : memref<30x768xf32, #tpu.memory_space<hbm>> -> memref<30x768xf32, #tpu.memory_space<hbm>>
      tpu.enqueue_indirect_dma source(%dma_start3A_7 : memref<30x768xf32, #tpu.memory_space<hbm>>) target(%arg6 : memref<8x768xf32, #tpu.memory_space<vmem>>) offsets(%dma_start3A_4 : memref<8xi32, #tpu.memory_space<vmem>>) semaphore(%arg8 : memref<!tpu.dma_semaphore, #tpu.memory_space<semaphore_mem>>)
      %dma_wait3A = arith.constant 0 : i32
      %dma_wait3A_8 = tpu.memref_slice %arg5[%arg1, %dma_wait3A] : memref<14x8xi32, #tpu.memory_space<vmem>> -> memref<1x8xi32, #tpu.memory_space<vmem>>
      %dma_wait3A_9 = tpu.memref_squeeze %dma_wait3A_8 : memref<1x8xi32, #tpu.memory_space<vmem>> -> memref<8xi32, #tpu.memory_space<vmem>>
      %dma_wait3A_10 = arith.constant 0 : i32
      %dma_wait3A_11 = arith.constant 0 : i32
      %dma_wait3A_12 = tpu.memref_slice %arg2[%dma_wait3A_10, %dma_wait3A_11] : memref<30x768xf32, #tpu.memory_space<hbm>> -> memref<30x768xf32, #tpu.memory_space<hbm>>
      tpu.wait_indirect_dma semaphore(%arg8 : memref<!tpu.dma_semaphore, #tpu.memory_space<semaphore_mem>>) src(%dma_wait3A_12 : memref<30x768xf32, #tpu.memory_space<hbm>>) dst(%arg6 : memref<8x768xf32, #tpu.memory_space<vmem>>)
      %scan3A = arith.constant 0 : i32
      %scan3A_13 = arith.constant 0 : i32
      %scan3A_14 = arith.constant 48 : i32
      %scan3A_15 = arith.addi %scan3A_13, %scan3A_14 : i32
      %scan3A_16 = arith.constant 1 : i32
      %scan3A_17 = scf.for %scan3A_40 = %scan3A_13 to %scan3A_15 step %scan3A_16 iter_args(%scan3A_41 = %scan3A) -> (i32)  : i32 {
        %mul3A_42 = arith.constant 16 : i32
        %mul3A_43 = arith.muli %scan3A_40, %mul3A_42 : i32
        %get3A = arith.constant 0 : i32
        %get3A_44 = arith.index_cast %get3A : i32 to index
        %get3A_45 = arith.index_cast %mul3A_43 : i32 to index
        %get3A_46 = tpu.vector_load %arg6[%get3A_44, %get3A_45] {strides = array<i32>} : memref<8x768xf32, #tpu.memory_space<vmem>>, vector<1x16xf32>,
        %get3A_47 = vector.shape_cast %get3A_46 : vector<1x16xf32> to vector<16xf32>
        %get3A_48 = arith.constant 4 : i32
        %get3A_49 = arith.index_cast %get3A_48 : i32 to index
        %get3A_50 = arith.index_cast %mul3A_43 : i32 to index
        %get3A_51 = tpu.vector_load %arg6[%get3A_49, %get3A_50] {strides = array<i32>} : memref<8x768xf32, #tpu.memory_space<vmem>>, vector<1x16xf32>,
        %get3A_52 = vector.shape_cast %get3A_51 : vector<1x16xf32> to vector<16xf32>
        %add3A = arith.addf %get3A_47, %get3A_52 : vector<16xf32>
        %mul3A_53 = arith.constant 5.000000e-01 : f32
        %mul3A_54 = vector.broadcast %mul3A_53 : f32 to vector<16xf32>
        %mul3A_55 = arith.mulf %add3A, %mul3A_54 : vector<16xf32>
        %swap3A = arith.constant 0 : i32
        %swap3A_56 = arith.index_cast %swap3A : i32 to index
        %swap3A_57 = arith.index_cast %mul3A_43 : i32 to index
        %swap3A_58 = tpu.vector_load %arg7[%swap3A_56, %swap3A_57] {strides = array<i32>} : memref<4x768xf32, #tpu.memory_space<vmem>>, vector<1x16xf32>,
        %swap3A_59 = vector.shape_cast %swap3A_58 : vector<1x16xf32> to vector<16xf32>
        %swap3A_60 = vector.shape_cast %mul3A_55 : vector<16xf32> to vector<1x16xf32>
        tpu.vector_store %arg7[%swap3A_56, %swap3A_57], %swap3A_60 {strides = array<i32>} : memref<4x768xf32, #tpu.memory_space<vmem>>, vector<1x16xf32>,
        %scan3A_61 = arith.constant 0 : i32
        scf.yield %scan3A_61 : i32
      }
      %scan3A_18 = arith.constant 48 : i32
      %scan3A_19 = arith.constant 0 : i32
      %scan3A_20 = arith.constant 0 : i32
      %scan3A_21 = arith.constant 48 : i32
      %scan3A_22 = arith.addi %scan3A_20, %scan3A_21 : i32
      %scan3A_23 = arith.constant 1 : i32
      %scan3A_24 = scf.for %scan3A_40 = %scan3A_20 to %scan3A_22 step %scan3A_23 iter_args(%scan3A_41 = %scan3A_19) -> (i32)  : i32 {
        %mul3A_42 = arith.constant 16 : i32
        %mul3A_43 = arith.muli %scan3A_40, %mul3A_42 : i32
        %get3A = arith.constant 1 : i32
        %get3A_44 = arith.index_cast %get3A : i32 to index
        %get3A_45 = arith.index_cast %mul3A_43 : i32 to index
        %get3A_46 = tpu.vector_load %arg6[%get3A_44, %get3A_45] {strides = array<i32>} : memref<8x768xf32, #tpu.memory_space<vmem>>, vector<1x16xf32>,
        %get3A_47 = vector.shape_cast %get3A_46 : vector<1x16xf32> to vector<16xf32>
        %get3A_48 = arith.constant 5 : i32
        %get3A_49 = arith.index_cast %get3A_48 : i32 to index
        %get3A_50 = arith.index_cast %mul3A_43 : i32 to index
        %get3A_51 = tpu.vector_load %arg6[%get3A_49, %get3A_50] {strides = array<i32>} : memref<8x768xf32, #tpu.memory_space<vmem>>, vector<1x16xf32>,
        %get3A_52 = vector.shape_cast %get3A_51 : vector<1x16xf32> to vector<16xf32>
        %add3A = arith.addf %get3A_47, %get3A_52 : vector<16xf32>
        %mul3A_53 = arith.constant 5.000000e-01 : f32
        %mul3A_54 = vector.broadcast %mul3A_53 : f32 to vector<16xf32>
        %mul3A_55 = arith.mulf %add3A, %mul3A_54 : vector<16xf32>
        %swap3A = arith.constant 1 : i32
        %swap3A_56 = arith.index_cast %swap3A : i32 to index
        %swap3A_57 = arith.index_cast %mul3A_43 : i32 to index
        %swap3A_58 = tpu.vector_load %arg7[%swap3A_56, %swap3A_57] {strides = array<i32>} : memref<4x768xf32, #tpu.memory_space<vmem>>, vector<1x16xf32>,
        %swap3A_59 = vector.shape_cast %swap3A_58 : vector<1x16xf32> to vector<16xf32>
        %swap3A_60 = vector.shape_cast %mul3A_55 : vector<16xf32> to vector<1x16xf32>
        tpu.vector_store %arg7[%swap3A_56, %swap3A_57], %swap3A_60 {strides = array<i32>} : memref<4x768xf32, #tpu.memory_space<vmem>>, vector<1x16xf32>,
        %scan3A_61 = arith.constant 0 : i32
        scf.yield %scan3A_61 : i32
      }
      %scan3A_25 = arith.constant 48 : i32
      %scan3A_26 = arith.constant 0 : i32
      %scan3A_27 = arith.constant 0 : i32
      %scan3A_28 = arith.constant 48 : i32
      %scan3A_29 = arith.addi %scan3A_27, %scan3A_28 : i32
      %scan3A_30 = arith.constant 1 : i32
      %scan3A_31 = scf.for %scan3A_40 = %scan3A_27 to %scan3A_29 step %scan3A_30 iter_args(%scan3A_41 = %scan3A_26) -> (i32)  : i32 {
        %mul3A_42 = arith.constant 16 : i32
        %mul3A_43 = arith.muli %scan3A_40, %mul3A_42 : i32
        %get3A = arith.constant 2 : i32
        %get3A_44 = arith.index_cast %get3A : i32 to index
        %get3A_45 = arith.index_cast %mul3A_43 : i32 to index
        %get3A_46 = tpu.vector_load %arg6[%get3A_44, %get3A_45] {strides = array<i32>} : memref<8x768xf32, #tpu.memory_space<vmem>>, vector<1x16xf32>,
        %get3A_47 = vector.shape_cast %get3A_46 : vector<1x16xf32> to vector<16xf32>
        %get3A_48 = arith.constant 6 : i32
        %get3A_49 = arith.index_cast %get3A_48 : i32 to index
        %get3A_50 = arith.index_cast %mul3A_43 : i32 to index
        %get3A_51 = tpu.vector_load %arg6[%get3A_49, %get3A_50] {strides = array<i32>} : memref<8x768xf32, #tpu.memory_space<vmem>>, vector<1x16xf32>,
        %get3A_52 = vector.shape_cast %get3A_51 : vector<1x16xf32> to vector<16xf32>
        %add3A = arith.addf %get3A_47, %get3A_52 : vector<16xf32>
        %mul3A_53 = arith.constant 5.000000e-01 : f32
        %mul3A_54 = vector.broadcast %mul3A_53 : f32 to vector<16xf32>
        %mul3A_55 = arith.mulf %add3A, %mul3A_54 : vector<16xf32>
        %swap3A = arith.constant 2 : i32
        %swap3A_56 = arith.index_cast %swap3A : i32 to index
        %swap3A_57 = arith.index_cast %mul3A_43 : i32 to index
        %swap3A_58 = tpu.vector_load %arg7[%swap3A_56, %swap3A_57] {strides = array<i32>} : memref<4x768xf32, #tpu.memory_space<vmem>>, vector<1x16xf32>,
        %swap3A_59 = vector.shape_cast %swap3A_58 : vector<1x16xf32> to vector<16xf32>
        %swap3A_60 = vector.shape_cast %mul3A_55 : vector<16xf32> to vector<1x16xf32>
        tpu.vector_store %arg7[%swap3A_56, %swap3A_57], %swap3A_60 {strides = array<i32>} : memref<4x768xf32, #tpu.memory_space<vmem>>, vector<1x16xf32>,
        %scan3A_61 = arith.constant 0 : i32
        scf.yield %scan3A_61 : i32
      }
      %scan3A_32 = arith.constant 48 : i32
      %scan3A_33 = arith.constant 0 : i32
      %scan3A_34 = arith.constant 0 : i32
      %scan3A_35 = arith.constant 48 : i32
      %scan3A_36 = arith.addi %scan3A_34, %scan3A_35 : i32
      %scan3A_37 = arith.constant 1 : i32
      %scan3A_38 = scf.for %scan3A_40 = %scan3A_34 to %scan3A_36 step %scan3A_37 iter_args(%scan3A_41 = %scan3A_33) -> (i32)  : i32 {
        %mul3A_42 = arith.constant 16 : i32
        %mul3A_43 = arith.muli %scan3A_40, %mul3A_42 : i32
        %get3A = arith.constant 3 : i32
        %get3A_44 = arith.index_cast %get3A : i32 to index
        %get3A_45 = arith.index_cast %mul3A_43 : i32 to index
        %get3A_46 = tpu.vector_load %arg6[%get3A_44, %get3A_45] {strides = array<i32>} : memref<8x768xf32, #tpu.memory_space<vmem>>, vector<1x16xf32>,
        %get3A_47 = vector.shape_cast %get3A_46 : vector<1x16xf32> to vector<16xf32>
        %get3A_48 = arith.constant 7 : i32
        %get3A_49 = arith.index_cast %get3A_48 : i32 to index
        %get3A_50 = arith.index_cast %mul3A_43 : i32 to index
        %get3A_51 = tpu.vector_load %arg6[%get3A_49, %get3A_50] {strides = array<i32>} : memref<8x768xf32, #tpu.memory_space<vmem>>, vector<1x16xf32>,
        %get3A_52 = vector.shape_cast %get3A_51 : vector<1x16xf32> to vector<16xf32>
        %add3A = arith.addf %get3A_47, %get3A_52 : vector<16xf32>
        %mul3A_53 = arith.constant 5.000000e-01 : f32
        %mul3A_54 = vector.broadcast %mul3A_53 : f32 to vector<16xf32>
        %mul3A_55 = arith.mulf %add3A, %mul3A_54 : vector<16xf32>
        %swap3A = arith.constant 3 : i32
        %swap3A_56 = arith.index_cast %swap3A : i32 to index
        %swap3A_57 = arith.index_cast %mul3A_43 : i32 to index
        %swap3A_58 = tpu.vector_load %arg7[%swap3A_56, %swap3A_57] {strides = array<i32>} : memref<4x768xf32, #tpu.memory_space<vmem>>, vector<1x16xf32>,
        %swap3A_59 = vector.shape_cast %swap3A_58 : vector<1x16xf32> to vector<16xf32>
        %swap3A_60 = vector.shape_cast %mul3A_55 : vector<16xf32> to vector<1x16xf32>
        tpu.vector_store %arg7[%swap3A_56, %swap3A_57], %swap3A_60 {strides = array<i32>} : memref<4x768xf32, #tpu.memory_space<vmem>>, vector<1x16xf32>,
        %scan3A_61 = arith.constant 0 : i32
        scf.yield %scan3A_61 : i32
      }
      %scan3A_39 = arith.constant 48 : i32
      "tpu.region"() ({
        %run_scoped3A = tpu.sem_alloc : memref<!tpu.dma_semaphore, #tpu.memory_space<semaphore_mem>>
        %dma_start3A_40 = arith.constant 0 : i32
        %dma_start3A_41 = tpu.memref_slice %arg4[%mul3A_2, %dma_start3A_40] : memref<56x768xf32, #tpu.memory_space<hbm>> -> memref<4x768xf32, #tpu.memory_space<hbm>>
        %dma_start3A_42 = arith.constant 0 : i32
        %dma_start3A_43 = tpu.memref_slice %arg4[%mul3A_2, %dma_start3A_42] : memref<56x768xf32, #tpu.memory_space<hbm>> -> memref<4x768xf32, #tpu.memory_space<hbm>>
        tpu.enqueue_dma source(%arg7 : memref<4x768xf32, #tpu.memory_space<vmem>>) target(%dma_start3A_43 : memref<4x768xf32, #tpu.memory_space<hbm>>) target_semaphore(%run_scoped3A : memref<!tpu.dma_semaphore, #tpu.memory_space<semaphore_mem>>)
        %dma_wait3A_44 = arith.constant 0 : i32
        %dma_wait3A_45 = tpu.memref_slice %arg4[%mul3A_2, %dma_wait3A_44] : memref<56x768xf32, #tpu.memory_space<hbm>> -> memref<4x768xf32, #tpu.memory_space<hbm>>
        %dma_wait3A_46 = arith.constant 0 : i32
        %dma_wait3A_47 = tpu.memref_slice %arg4[%mul3A_2, %dma_wait3A_46] : memref<56x768xf32, #tpu.memory_space<hbm>> -> memref<4x768xf32, #tpu.memory_space<hbm>>
        tpu.wait_dma2 semaphore(%run_scoped3A : memref<!tpu.dma_semaphore, #tpu.memory_space<semaphore_mem>>) src(%arg7 : memref<4x768xf32, #tpu.memory_space<vmem>>) dst(%dma_wait3A_47 : memref<4x768xf32, #tpu.memory_space<hbm>>)
        tpu.yield
      }) : () -> ()
    } else {
    }
    return
  }
}

module attributes {stable_mosaic.version = 14 : i64} {
  func.func @_tc_body(%arg0: i32, %arg1: i32, %arg2: memref<72xi32, #tpu.memory_space<smem>>, %arg3: memref<72xi32, #tpu.memory_space<smem>>, %arg4: memref<56x768xf32, #tpu.memory_space<vmem>>, %arg5: memref<1x1024x768xf32, #tpu.memory_space<vmem>>, %arg6: memref<1x1024x768xf32, #tpu.memory_space<vmem>>, %arg7: memref<1x1x1x1024xi32, #tpu.memory_space<vmem>>) attributes {dimension_semantics = [#tpu.dimension_semantics<arbitrary>, #tpu.dimension_semantics<arbitrary>], iteration_bounds = array<i64: 8, 9>, scalar_prefetch = 2 : i64, scratch_operands = 0 : i64, tpu.core_type = #tpu.core_type<tc>, window_params = [{pipeline_mode = #tpu.pipeline_mode<synchronous>, transform_indices = @transform_0, window_bounds = array<i64: 56, 768>}, {transform_indices = @transform_1, window_bounds = array<i64: 1, 1024, 768>}, {transform_indices = @transform_2, window_bounds = array<i64: 1, 1024, 768>}, {transform_indices = @transform_3, window_bounds = array<i64: 1, 1, 1, 1024>}]} {
    %mul3A = arith.constant 9 : i32
    %mul3A_0 = arith.muli %arg0, %mul3A : i32
    %add3A = arith.addi %mul3A_0, %arg1 : i32
    %get3A = arith.index_cast %add3A : i32 to index
    %get3A_1 = memref.load %arg3[%get3A] : memref<72xi32, #tpu.memory_space<smem>>
    %get3A_2 = arith.index_cast %add3A : i32 to index
    %get3A_3 = memref.load %arg2[%get3A_2] : memref<72xi32, #tpu.memory_space<smem>>
    %eq3A = arith.constant 1 : i32
    %eq3A_4 = arith.cmpi eq, %get3A_1, %eq3A : i32
    %convert_element_type3A = arith.extui %eq3A_4 : i1 to i32
    %cond3A = arith.constant 0 : i32
    %cond3A_5 = arith.cmpi ne, %convert_element_type3A, %cond3A : i32
    scf.if %cond3A_5 {
      %get3A_11 = arith.constant 0 : index
      %get3A_12 = arith.constant 0 : index
      %get3A_13 = arith.constant 0 : index
      %get3A_14 = vector.load %arg5[%get3A_11, %get3A_12, %get3A_13] : memref<1x1024x768xf32, #tpu.memory_space<vmem>>, vector<1x1024x768xf32>
      %get3A_15 = arith.index_cast %get3A_3 : i32 to index
      %get3A_16 = arith.constant 0 : index
      %get3A_17 = vector.load %arg4[%get3A_15, %get3A_16] : memref<56x768xf32, #tpu.memory_space<vmem>>, vector<1x768xf32>
      %get3A_18 = vector.shape_cast %get3A_17 : vector<1x768xf32> to vector<768xf32>
      %broadcast_in_dim3A = vector.shape_cast %get3A_18 : vector<768xf32> to vector<1x1x768xf32>
      %add3A_19 = vector.broadcast %broadcast_in_dim3A : vector<1x1x768xf32> to vector<1x1024x768xf32>
      %add3A_20 = arith.addf %get3A_14, %add3A_19 : vector<1x1024x768xf32>
      %swap3A = arith.constant 0 : index
      %swap3A_21 = arith.constant 0 : index
      %swap3A_22 = arith.constant 0 : index
      %swap3A_23 = vector.load %arg6[%swap3A, %swap3A_21, %swap3A_22] : memref<1x1024x768xf32, #tpu.memory_space<vmem>>, vector<1x1024x768xf32>
      tpu.vector_store %arg6[%swap3A, %swap3A_21, %swap3A_22], %add3A_20 {strides = array<i32>} : memref<1x1024x768xf32, #tpu.memory_space<vmem>>, vector<1x1024x768xf32>,
      %broadcast_in_dim3A_24 = arith.constant 1 : i32
      %broadcast_in_dim3A_25 = vector.broadcast %broadcast_in_dim3A_24 : i32 to vector<1x1x1x1024xi32>
      %swap3A_26 = arith.constant 0 : index
      %swap3A_27 = arith.constant 0 : index
      %swap3A_28 = arith.constant 0 : index
      %swap3A_29 = arith.constant 0 : index
      %swap3A_30 = vector.load %arg7[%swap3A_26, %swap3A_27, %swap3A_28, %swap3A_29] : memref<1x1x1x1024xi32, #tpu.memory_space<vmem>>, vector<1x1x1x1024xi32>
      tpu.vector_store %arg7[%swap3A_26, %swap3A_27, %swap3A_28, %swap3A_29], %broadcast_in_dim3A_25 {strides = array<i32>} : memref<1x1x1x1024xi32, #tpu.memory_space<vmem>>, vector<1x1x1x1024xi32>,
    } else {
    }
    %eq3A_6 = arith.constant 0 : i32
    %eq3A_7 = arith.cmpi eq, %get3A_1, %eq3A_6 : i32
    %convert_element_type3A_8 = arith.extui %eq3A_7 : i1 to i32
    %cond3A_9 = arith.constant 0 : i32
    %cond3A_10 = arith.cmpi ne, %convert_element_type3A_8, %cond3A_9 : i32
    scf.if %cond3A_10 {
      %broadcast_in_dim3A = arith.constant 0.000000e+00 : f32
      %broadcast_in_dim3A_11 = vector.broadcast %broadcast_in_dim3A : f32 to vector<1x1024x768xf32>
      %swap3A = arith.constant 0 : index
      %swap3A_12 = arith.constant 0 : index
      %swap3A_13 = arith.constant 0 : index
      %swap3A_14 = vector.load %arg6[%swap3A, %swap3A_12, %swap3A_13] : memref<1x1024x768xf32, #tpu.memory_space<vmem>>, vector<1x1024x768xf32>
      tpu.vector_store %arg6[%swap3A, %swap3A_12, %swap3A_13], %broadcast_in_dim3A_11 {strides = array<i32>} : memref<1x1024x768xf32, #tpu.memory_space<vmem>>, vector<1x1024x768xf32>,
      %broadcast_in_dim3A_15 = arith.constant 0 : i32
      %broadcast_in_dim3A_16 = vector.broadcast %broadcast_in_dim3A_15 : i32 to vector<1x1x1x1024xi32>
      %swap3A_17 = arith.constant 0 : index
      %swap3A_18 = arith.constant 0 : index
      %swap3A_19 = arith.constant 0 : index
      %swap3A_20 = arith.constant 0 : index
      %swap3A_21 = vector.load %arg7[%swap3A_17, %swap3A_18, %swap3A_19, %swap3A_20] : memref<1x1x1x1024xi32, #tpu.memory_space<vmem>>, vector<1x1x1x1024xi32>
      tpu.vector_store %arg7[%swap3A_17, %swap3A_18, %swap3A_19, %swap3A_20], %broadcast_in_dim3A_16 {strides = array<i32>} : memref<1x1x1x1024xi32, #tpu.memory_space<vmem>>, vector<1x1x1x1024xi32>,
    } else {
    }
    return
  }
  func.func @transform_0(%arg0: i32, %arg1: i32, %arg2: memref<72xi32, #tpu.memory_space<smem>>, %arg3: memref<72xi32, #tpu.memory_space<smem>>) -> (i32, i32) {
    %c0_i32 = arith.constant 0 : i32
    %c0_i32_0 = arith.constant 0 : i32
    %c0_i32_1 = arith.constant 0 : i32
    return %c0_i32, %c0_i32_0 : i32, i32
  }
  func.func @transform_1(%arg0: i32, %arg1: i32, %arg2: memref<72xi32, #tpu.memory_space<smem>>, %arg3: memref<72xi32, #tpu.memory_space<smem>>) -> (i32, i32, i32) {
    %mul3A = arith.constant 9 : i32
    %mul3A_0 = arith.muli %arg0, %mul3A : i32
    %add3A = arith.addi %mul3A_0, %arg1 : i32
    %get3A = arith.index_cast %add3A : i32 to index
    %get3A_1 = memref.load %arg2[%get3A] : memref<72xi32, #tpu.memory_space<smem>>
    %c0_i32 = arith.constant 0 : i32
    %c0_i32_2 = arith.constant 0 : i32
    %c0_i32_3 = arith.constant 0 : i32
    return %get3A_1, %c0_i32, %c0_i32_2 : i32, i32, i32
  }
  func.func @transform_2(%arg0: i32, %arg1: i32, %arg2: memref<72xi32, #tpu.memory_space<smem>>, %arg3: memref<72xi32, #tpu.memory_space<smem>>) -> (i32, i32, i32) {
    %c0_i32 = arith.constant 0 : i32
    %c0_i32_0 = arith.constant 0 : i32
    return %arg0, %arg1, %c0_i32 : i32, i32, i32
  }
  func.func @transform_3(%arg0: i32, %arg1: i32, %arg2: memref<72xi32, #tpu.memory_space<smem>>, %arg3: memref<72xi32, #tpu.memory_space<smem>>) -> (i32, i32, i32, i32) {
    %c0_i32 = arith.constant 0 : i32
    %c0_i32_0 = arith.constant 0 : i32
    %c0_i32_1 = arith.constant 0 : i32
    return %arg0, %arg1, %c0_i32, %c0_i32_0 : i32, i32, i32, i32
  }
}

</mosaic_0001>

<sc_bundles>
// kernel: kernel.4.cloned.1.call-start
scs
__scs_entry_jumppad:
0x0: {  	(pc) =	sbr.rel $0x88, $3  }
0x1: {  	(tag) =	ssettag $0x0;
	lr =	simm.s32 $0x1  }
0x2: {  	[smem:$0x3F9D] =	sst lr;
	_ =	strace $0xD0000000  }
0x3: {  	_ = 	snop  }
0x4: {  	_ = 	snop  }
0x5: {  	_ = 	snop  }
0x6: {  	_ = 	snop  }
0x7: {  	_ = 	snop  }
__scs_overlays_trampoline_lowered:
0x8: {  	[smem:$0x3FAC] =	sst s0  }
0x9: {  	[smem:$0x3FAD] =	sst s1  }
0xa: {  	[smem:$0x3FAE] =	sst s2  }
0xb: {  	[smem:$0x3FAF] =	sst s3  }
0xc: {  	[smem:$0x3FB0] =	sst s4  }
0xd: {  	[smem:$0x3FB1] =	sst s5  }
0xe: {  	[smem:$0x3FB2] =	sst s6  }
0xf: {  	[smem:$0x3FB3] =	sst s7  }
0x10: {  	[smem:$0x3FB4] =	sst s8  }
0x11: {  	[smem:$0x3FB5] =	sst s9;
	s0 =	simm.s32 @!p0 $0x0  }
0x12: {  	s1 =	sld [smem:$0x3F9B];
	s0 =	simm.s32 @p0 $0x1  }
0x13: {  	[smem:$0x3FB6] =	sst s0;
	s0 =	simm.s32 @!p1 $0x0  }
0x14: {  	s2 =	sld [smem:$0x3F9A];
	s0 =	simm.s32 @p1 $0x1  }
0x15: {  	[smem:$0x3FB7] =	sst s0;
	s0 =	simm.s32 @!p2 $0x0  }
0x16: {  	s3 =	sld [smem:$0x3FDB];
	s0 =	simm.s32 @p2 $0x1  }
0x17: {  	s4 =	simm.s32 $0x1BF5;
	[smem:$0x3FB9] =	sst s0  }
0x18: {  	s0 =	sld [smem:$0x3F9C];
	_ =	swait.ge [sflag:s4], $0x0  }
0x19: {  	s7 =	sld [smem:$0x3F9D]  }
0x1a: {  	s8 =	sadd.s32 $0xFFFFE003, lr  }
0x1b: {  	s9 =	sadd.s32 $0xFFFFFEF7, lr;
	s5 =	simm.s32 $0xFFFFFFFF;
	p2 =	slt.u32 s8, $0xFFFFF086  }
0x1c: {  	p1 =	slt.u32 s9, $0xF7A;
	s5 =	simm.s32 @!p2 $0x0  }
0x1d: {  	s5 =	simm.s32 @p1 $0x1;
	p0 =	seq.s32 s7, s2  }
0x1e: {  	s7 =	smul.u32 @!p0 $0xF7A, s2;
	p2 =	seq.s32 @!p0 s5, $0x0  }
0x1f: {  	s9 =	smul.u32 $0xF7A, s1;
	s8 =	simm.s32 @!p0 $0x1BF5;
	p2 =	por !p2, p0  }
0x20: {  	[sflag:s8] =	ssyncset.s32 @!p0 $0xFFFFF086;
	s6 =	sadd.s32 @!p0 s3, s7;
	s7 =	simm.s32 @!p0 $0x108  }
0x21: {  	s3 =	sadd.s32 s3, s9;
	s6 =	sadd.s32 @!p0 $0x88, s6;
	s7 =	simm.s32 @p2 $0x1082  }
0x22: {  	[simem:s7], [sflag:s8] =	dma.local @!p0 [hbm:s6], $0xF7A  }
0x23: {  	s9 =	sor.u32 $0xD0000000, s2;
	s6 =	simm.s32 $0x108;
	_ =	swait.ge @!p0 [sflag:s8], $0x0  }
0x24: {  	s3 =	sadd.s32 $0x88, s3;
	s6 =	simm.s32 @!p1 $0x1082;
	[sflag:s4] =	ssyncset.s32 $0xFFFFF086  }
0x25: {  	[simem:s6], [sflag:s4] =	dma.local [hbm:s3], $0xF7A  }
0x26: {  	[smem:$0x3F9D] =	sst s1;
	(tag) =	ssettag s2;
	_ =	strace s9  }
0x27: {  	s1 =	sld [smem:$0x3FAD]  }
0x28: {  	s2 =	sld [smem:$0x3FAE]  }
0x29: {  	s4 =	sld [smem:$0x3FB0]  }
0x2a: {  	p0 =	seq.s32 s5, $0x0;
	s5 =	sld [smem:$0x3FB1]  }
0x2b: {  	s6 =	sld [smem:$0x3FB2]  }
0x2c: {  	s7 =	sld [smem:$0x3FB3]  }
0x2d: {  	s3 =	simm.s32 $0x108;
	s8 =	sld [smem:$0x3FB4]  }
0x2e: {  	s3 =	simm.s32 @!p0 $0x1082;
	s9 =	sld [smem:$0x3FB5]  }
0x2f: {  	lr =	sadd.s32 s0, s3;
	s0 =	sld [smem:$0x3FAC]  }
0x30: {  	s3 =	sld [smem:$0x3FAF]  }
0x31: {  	[smem:$0x3FB8] =	sst s10  }
0x32: {  	s10 =	sld [smem:$0x3FB6];
	_ =	sdelay $0x3  }
0x33: {  	p0 =	seq.s32 s10, $0x1;
	s10 =	sld [smem:$0x3FB8];
	_ =	sdelay $0x3  }
0x34: {  	[smem:$0x3FB8] =	sst s10  }
0x35: {  	s10 =	sld [smem:$0x3FB7];
	_ =	sdelay $0x3  }
0x36: {  	p1 =	seq.s32 s10, $0x1;
	s10 =	sld [smem:$0x3FB8];
	_ =	sdelay $0x3  }
0x37: {  	[smem:$0x3FB8] =	sst s10  }
0x38: {  	s10 =	sld [smem:$0x3FB9]  }
0x39: {  	_ = 	snop;
	(pc) =	sbr.ind lr, $3  }
0x3a: {  	_ = 	snop  }
0x3b: {  	_ = 	snop  }
0x3c: {  	p2 =	seq.s32 s10, $0x1;
	s10 =	sld [smem:$0x3FB8]  }
0x3d: {  	_ =	shalt  }
0x3e: {  	_ =	shalt  }
0x3f: {  	_ =	shalt  }
0x40: {  	_ =	shalt  }
0x41: {  	_ =	shalt  }
0x42: {  	_ =	shalt  }
0x43: {  	_ =	shalt  }
0x44: {  	_ =	shalt  }
0x45: {  	_ =	shalt  }
0x46: {  	_ =	shalt  }
0x47: {  	_ =	shalt  }
0x48: {  	_ =	shalt  }
0x49: {  	_ =	shalt  }
0x4a: {  	_ =	shalt  }
0x4b: {  	_ =	shalt  }
0x4c: {  	_ =	shalt  }
0x4d: {  	_ =	shalt  }
0x4e: {  	_ =	shalt  }
0x4f: {  	_ =	shalt  }
0x50: {  	_ =	shalt  }
0x51: {  	_ =	shalt  }
0x52: {  	_ =	shalt  }
0x53: {  	_ =	shalt  }
0x54: {  	_ =	shalt  }
0x55: {  	_ =	shalt  }
0x56: {  	_ =	shalt  }
0x57: {  	_ =	shalt  }
0x58: {  	_ =	shalt  }
0x59: {  	_ =	shalt  }
0x5a: {  	_ =	shalt  }
0x5b: {  	_ =	shalt  }
0x5c: {  	_ =	shalt  }
0x5d: {  	_ =	shalt  }
0x5e: {  	_ =	shalt  }
0x5f: {  	_ =	shalt  }
0x60: {  	_ =	shalt  }
0x61: {  	_ =	shalt  }
0x62: {  	_ =	shalt  }
0x63: {  	_ =	shalt  }
0x64: {  	_ =	shalt  }
0x65: {  	_ =	shalt  }
0x66: {  	_ =	shalt  }
0x67: {  	_ =	shalt  }
0x68: {  	_ =	shalt  }
0x69: {  	_ =	shalt  }
0x6a: {  	_ =	shalt  }
0x6b: {  	_ =	shalt  }
0x6c: {  	_ =	shalt  }
0x6d: {  	_ =	shalt  }
0x6e: {  	_ =	shalt  }
0x6f: {  	_ =	shalt  }
0x70: {  	_ =	shalt  }
0x71: {  	_ =	shalt  }
0x72: {  	_ =	shalt  }
0x73: {  	_ =	shalt  }
0x74: {  	_ =	shalt  }
0x75: {  	_ =	shalt  }
0x76: {  	_ =	shalt  }
0x77: {  	_ =	shalt  }
0x78: {  	_ =	shalt  }
0x79: {  	_ =	shalt  }
0x7a: {  	_ =	shalt  }
0x7b: {  	_ =	shalt  }
0x7c: {  	_ =	shalt  }
0x7d: {  	_ =	shalt  }
0x7e: {  	_ =	shalt  }
0x7f: {  	_ =	shalt  }
0x80: {  	_ =	shalt  }
0x81: {  	_ =	shalt  }
0x82: {  	_ =	shalt  }
0x83: {  	_ =	shalt  }
0x84: {  	_ =	shalt  }
0x85: {  	_ =	shalt  }
0x86: {  	_ =	shalt  }
0x87: {  	_ =	shalt  }
.Lfunc_end0:
.L_simem_size_0:
called_computation_lowered:
.L_overlay_start_0:
0x88: {  	s0 =	sld [smem:$0x3FD9]  }
0x89: {  	s1 =	sld [smem:$0x3FFE];
	_ =	sdelay $0x3  }
0x8a: {  	s0 =	sadd.s32 s1, s0  }
0x8b: {  	[smem:$0x3FC4] =	sst s0  }
0x8c: {  	_ = 	snop  }
0x8d: {  	s0 =	sld [smem:$0x3FD0];
	_ =	sdelay $0x2  }
0x8e: {  	s13 =	simm.s32 $0xA;
	s2 =	simm.s32 $0x10  }
0x8f: {  	[smem:s2], [sflag:s13] =	dma.local [hbm:s0], $0x1  }
0x90: {  	_ =	swait.eq [sflag:s13], $0x1  }
0x91: {  	[sflag:s13] =	ssyncset.done $0x0  }
0x92: {  	s14 =	sld [smem:$0x10];
	[sflag:s13] =	ssyncadd.s32 $0xFFFFFFFF  }
0x93: {  	s15 =	sld [smem:$0x11];
	(tm) =	ssettm $0x1  }
0x94: {  	s16 =	sld [smem:$0x3FFB];
	_ =	sdelay $0x3  }
0x95: {  	_ =	strace s16  }
0x96: {  	s2 =	sld [smem:$0x3FFC];
	_ =	sdelay $0x3  }
0x97: {  	_ =	strace s2  }
0x98: {  	s2 =	sld [smem:$0x3FFD];
	_ =	sdelay $0x3  }
0x99: {  	_ =	strace s2  }
0x9a: {  	_ =	strace $0x8FFFFFFF  }
0x9b: {  	s17 =	sld [smem:$0x3FDB];
	_ =	sdelay $0x1  }
0x9c: {  	s3 =	simm.s32 $_scs_section_size  }
0x9d: {  	s4 =	simm.s32 $_size__tile_overlayer_lowered;
	s5 =	simm.s32 $_tile_overlayer_lowered  }
0x9e: {  	s20 =	simm.s32 $0x1BFF;
	s19 =	sshll.u32 s5, $0x1;
	s2 =	sadd.s32 s3, s17  }
0x9f: {  	s6 =	simm.s32 $0x0;
	s18 =	sshll.u32 s4, $0x1;
	s4 =	sadd.s32 s19, s2  }
0xa0: {  	[timem:s6], [sflag:s20] =	dma.local [hbm:s4], s18  }
0xa1: {  	_ =	swait.ge [sflag:s20], s18  }
0xa2: {  	s3 =	ssub.s32 $0x0, s18;
	[sflag:s20] =	ssyncset.done $0x0  }
0xa3: {  	[sflag:s20] =	ssyncadd.s32 s3;
	_ =	sdelay $0x1  }
0xa4: {  	s21 =	simm.s32 $0x1B8B  }
0xa5: {  	_ =	swait.ge [sflag:s21], $0x1  }
0xa6: {  	[sflag:s21] =	ssyncset.done $0x0  }
0xa7: {  	s23 =	simm.s32 $0x1B8E;
	s22 =	sld [smem:$0x3FFE];
	[sflag:s21] =	ssyncadd.s32 $0xFFFFFFFF  }
0xa8: {  	s24 =	simm.s32 $execute0_lowered;
	[smem:$0x3FD2] =	sst s23  }
0xa9: {  	s4 =	sshll.u32 s24, $0x1;
	_ =	strace $0x80000046;
	[dreg:$0x1] =	wrdreg $0xFFFFFFFF  }
0xaa: {  	s25 =	simm.s32 $_size_execute0_lowered;
	s2 =	sadd.s32 s2, s4;
	[dreg:$0x0] =	wrdreg $0x0  }
0xab: {  	s4 =	sshll.u32 s25, $0x1;
	[dreg:$0x2] =	wrdreg s2  }
0xac: {  	[dreg:$0x3] =	wrdreg s4  }
0xad: {  	[dreg:$0x4] =	wrdreg $0xC0  }
0xae: {  	_ =	task [dreg:s6], $0x5FFFF  }
0xaf: {  	[dreg:$0x1] =	wrdreg $0xFFFFFFFF  }
0xb0: {  	[dreg:$0x0] =	wrdreg $0x60  }
0xb1: {  	[dreg:$0x2] =	wrdreg s14  }
0xb2: {  	[dreg:$0x3] =	wrdreg s22  }
0xb3: {  	[dreg:$0x4] =	wrdreg s15  }
0xb4: {  	[dreg:$0x5] =	wrdreg $0x9  }
0xb5: {  	_ =	task.clear_ibuf [dreg:s6], $0x6FFFF;
	_ =	strace $0x90000046  }
0xb6: {  	s26 =	simm.s32 $0x9;
	_ =	strace $0x80000048  }
0xb7: {  	_ =	swait.ge [sflag:s26], $0x1  }
0xb8: {  	[sflag:s26] =	ssyncadd.s32 $0xFFFFFFFF  }
0xb9: {  	_ =	strace $0x90000048  }
0xba: {  	_ =	sfence  }
0xbb: {  	s28 =	sld [smem:$0x0];
	_ =	sdelay $0x1  }
0xbc: {  	s29 =	srdreg.scid  }
0xbd: {  	s30 =	sshll.u32 s29, $0xD;
	s31 =	sshrl.u32 s29, $0x2  }
0xbe: {  	s1 =	sand.u32 $0x1, s29;
	s2 =	sand.u32 $0x4000, s30;
	s0 =	sadd.s32 s31, s28  }
0xbf: {  	s1 =	sor.u32 s2, s1;
	s0 =	sshll.u32 s0, $0x11  }
0xc0: {  	s0 =	sor.u32 s0, s1  }
0xc1: {  	s0 =	sadd.s32 $0x8F2B, s0  }
0xc2: {  	[sflag:s0] =	ssyncadd.remote.s32 $0x1  }
0xc3: {  	_ =	sfence.sel $0xFFFF  }
0xc4: {  	[dreg:$0x0] =	wrdreg $0xFFFFFFFF;
	(pc) =	sbr.abs _section_cstart, $3  }
0xc5: {  	[dreg:$0x1] =	wrdreg $0xFFFFFFFF  }
0xc6: {  	_ =	task.clear_ibuf [dreg:s6], $0x2FFFF;
	_ =	strace $0x9FFFFFFF  }
0xc7: {  	(tm) =	ssettm $0x7FFFFFFF  }
tec
execute0_lowered:
.L_overlay_start_1:
0x0: {  	(tag) =	ssettag $0x1  }
0x1: {  	s1 =	stileid.u32  }
0x2: {  	p0 =	sgt.u32 s1, $0xD  }
.Ltmp0:
0x3: {  	s4 =	rddreg [dreg:$0x0];
	(pc) =	sbr.rel @p0 .LBB2_10-.Ltmp0, $4  }
0x4: {  	s5 =	rddreg [dreg:$0x1]  }
0x5: {  	s2 =	rddreg [dreg:$0x2];
	s3 =	simm.s32 $0x0  }
0x6: {  	[smem:$0x7FF] =	sst s3  }
0x7: {  	s0 =	rddreg [dreg:$0x3];
	_ =	strace $0x80000047  }
0x8: {  	[tilespmem:s3], [sflag:$0x2] =	stream.linear.gather [hbm4b:s5+s3], $0x700, $0x38;
	[tilespmem:$0x2C00] =	vst v63  }
0x9: {  	s18 =	simm.s32 $0x2  }
0xa: {  	_ =	swait.ge [sflag:s18], $0x700  }
0xb: {  	s6 =	sshll.u32 s1, $0x9;
	[sflag:s18] =	ssyncset.done $0x0  }
0xc: {  	s7 =	sshrl.u32 s6, $0x2;
	[sflag:s18] =	ssyncadd.s32 $0xFFFFF900  }
0xd: {  	v0 =	vld.msk [tilespmem:s7+$0x0], $0xff;
	_ =	sdelay $0x4  }
0xe: {  	v1 =	vshrl.u32 v0, $0x3  }
0xf: {  	v1 =	vmul.u32 $0x30, v1  }
0x10: {  	v2 =	vlaneseq.u32;
	v0 =	vand.u32 $0x7, v0  }
0x11: {  	v0 =	vor.u32 v0, v1;
	v1 =	vand.u32 $0x7, v2;
	v2 =	vshrl.u32 v2, $0x3  }
0x12: {  	v0 =	vperm.xlane v0, v1;
	v1 =	vmul.u32 $0x8, v2;
	_ =	sdelay $0x1  }
0x13: {  	v0 =	vadd.s32 v1, v0;
	_ =	sdelay $0x3  }
0x14: {  	vm0 =	vmmov $0xffff;
	s19 =	simm.s32 $0x800  }
0x15: {  	[tilespmem:s19], [sflag:$0x1] =	stream.indirect_vreg.gather [hbm4b:s4+s3], $0x80, v0, vm0, $0xb8;
	[tilespmem:$0x2C00] =	vst v63  }
0x16: {  	s20 =	sadd.s32 $0x100, s4;
	s21 =	simm.s32 $0x1000  }
0x17: {  	[tilespmem:s21], [sflag:$0x1] =	stream.indirect_vreg.gather [hbm4b:s20+s3], $0x80, v0, vm0, $0xb8;
	[tilespmem:$0x2C00] =	vst v63  }
0x18: {  	s22 =	sadd.s32 $0x200, s4;
	s23 =	simm.s32 $0x1800;
	s24 =	simm.s32 $0x1  }
0x19: {  	[tilespmem:s23], [sflag:$0x1] =	stream.indirect_vreg.gather [hbm4b:s22+s3], $0x80, v0, vm0, $0xb8;
	[tilespmem:$0x2C00] =	vst v63  }
0x1a: {  	s25 =	simm.s32 $0x0;
	_ =	swait.ge [sflag:s24], $0x1800  }
0x1b: {  	s8 =	sand.u32 $0x70, s3;
	s26 =	sand.u32 $0x3FFFFC00, s25;
	[sflag:s24] =	ssyncset.done $0x0  }
0x1c: {  	s3 =	sor.u32 s8, s26;
	[sflag:s24] =	ssyncadd.s32 $0xFFFFE800  }
0x1d: {  	v0 =	vld [tilespmem:s3+$0xA00]  }
0x1e: {  	v1 =	vld [tilespmem:s3+$0x800];
	_ =	sdelay $0x2  }
0x1f: {  	s28 =	sshrl.u32 s1, $0x1  }
0x20: {  	s30 =	simm.s32 $0x0;
	s4 =	smul.u32 $0x1800, s28  }
0x21: {  	s31 =	simm.s32 $0x80;
	s29 =	sand.u32 $0x200, s6;
	s9 =	sand.u32 $0x3FFFFE00, s30;
	v0 =	vadd.f32 v0, v1  }
0x22: {  	s6 =	simm.s32 $0x2;
	s7 =	sand.u32 $0x3FFFFC00, s31;
	s3 =	sor.u32 s29, s4  }
0x23: {  	s8 =	sor.u32 s8, s9;
	s4 =	simm.s32 $0x10;
	s3 =	sshrl.u32 s3, $0x3;
	v0 =	vmul.f32 $5.000000000e-01, v0  }
0x24: {  	s5 =	sand.u32 $0x70, s4;
	s2 =	sadd.s32 s2, s3;
	s3 =	simm.s32 $0x1  }
.LBB2_2:
0x25: {  	p0 =	sne.s32 s6, $0x2F;
	s7 =	sor.u32 s5, s7;
	[tilespmem:s8+$0x2000] =	vst v0;
	s8 =	smov.u32 s5  }
0x26: {  	v0 =	vld [tilespmem:s7+$0xA00]  }
0x27: {  	v1 =	vld [tilespmem:s7+$0x800];
	_ =	sdelay $0x3  }
.Ltmp1:
0x28: {  	(pc) =	sbr.rel @p0 .LBB2_2-.Ltmp1, $4  }
0x29: {  	v0 =	vadd.f32 v0, v1  }
0x2a: {  	s4 =	sadd.s32 $0x10, s4;
	s7 =	sshll.u32 s3, $0x6;
	s3 =	smov.u32 s6  }
0x2b: {  	s9 =	sshll.u32 s6, $0x7;
	s5 =	sand.u32 $0x70, s4;
	s10 =	sand.u32 $0x3FFFFE00, s7;
	v0 =	vmul.f32 $5.000000000e-01, v0  }
0x2c: {  	s6 =	sadd.s32 $0x1, s6;
	s7 =	sand.u32 $0x3FFFFC00, s9;
	s8 =	sor.u32 s8, s10  }
0x2d: {  	s4 =	sor.u32 s5, s7;
	[tilespmem:s8+$0x2000] =	vst v0  }
0x2e: {  	v0 =	vld [tilespmem:s4+$0xA00]  }
0x2f: {  	v1 =	vld [tilespmem:s4+$0x800];
	_ =	sdelay $0x4  }
0x30: {  	v0 =	vadd.f32 v0, v1  }
0x31: {  	s3 =	sshll.u32 s3, $0x6  }
0x32: {  	s25 =	simm.s32 $0x0;
	s6 =	simm.s32 $0x0;
	s3 =	sand.u32 $0x3FFFFE00, s3;
	v0 =	vmul.f32 $5.000000000e-01, v0  }
0x33: {  	s26 =	sand.u32 $0x70, s25;
	s28 =	sand.u32 $0x3FFFFC00, s6;
	s3 =	sor.u32 s5, s3  }
0x34: {  	s29 =	sor.u32 s26, s28;
	[tilespmem:s3+$0x2000] =	vst v0  }
0x35: {  	v0 =	vld [tilespmem:s29+$0xA80]  }
0x36: {  	v1 =	vld [tilespmem:s29+$0x880];
	_ =	sdelay $0x4  }
0x37: {  	v0 =	vadd.f32 v0, v1  }
0x38: {  	s30 =	simm.s32 $0x0;
	s31 =	simm.s32 $0x80;
	s4 =	simm.s32 $0x10  }
0x39: {  	s9 =	sand.u32 $0x3FFFFE00, s30;
	s7 =	sand.u32 $0x3FFFFC00, s31;
	s6 =	simm.s32 $0x2;
	v0 =	vmul.f32 $5.000000000e-01, v0  }
0x3a: {  	s5 =	sand.u32 $0x70, s4;
	s8 =	sor.u32 s26, s9;
	s3 =	simm.s32 $0x1  }
.LBB2_4:
0x3b: {  	p0 =	sne.s32 s6, $0x2F;
	s7 =	sor.u32 s5, s7;
	[tilespmem:s8+$0x2080] =	vst v0;
	s8 =	smov.u32 s5  }
0x3c: {  	v0 =	vld [tilespmem:s7+$0xA80]  }
0x3d: {  	v1 =	vld [tilespmem:s7+$0x880];
	_ =	sdelay $0x3  }
.Ltmp2:
0x3e: {  	(pc) =	sbr.rel @p0 .LBB2_4-.Ltmp2, $4  }
0x3f: {  	v0 =	vadd.f32 v0, v1  }
0x40: {  	s4 =	sadd.s32 $0x10, s4;
	s7 =	sshll.u32 s3, $0x6;
	s3 =	smov.u32 s6  }
0x41: {  	s9 =	sshll.u32 s6, $0x7;
	s5 =	sand.u32 $0x70, s4;
	s10 =	sand.u32 $0x3FFFFE00, s7;
	v0 =	vmul.f32 $5.000000000e-01, v0  }
0x42: {  	s6 =	sadd.s32 $0x1, s6;
	s7 =	sand.u32 $0x3FFFFC00, s9;
	s8 =	sor.u32 s8, s10  }
0x43: {  	s4 =	sor.u32 s5, s7;
	[tilespmem:s8+$0x2080] =	vst v0  }
0x44: {  	v0 =	vld [tilespmem:s4+$0xA80]  }
0x45: {  	v1 =	vld [tilespmem:s4+$0x880];
	_ =	sdelay $0x4  }
0x46: {  	v0 =	vadd.f32 v0, v1  }
0x47: {  	s3 =	sshll.u32 s3, $0x6  }
0x48: {  	s25 =	simm.s32 $0x0;
	s6 =	simm.s32 $0x0;
	s3 =	sand.u32 $0x3FFFFE00, s3;
	v0 =	vmul.f32 $5.000000000e-01, v0  }
0x49: {  	s26 =	sand.u32 $0x70, s25;
	s28 =	sand.u32 $0x3FFFFC00, s6;
	s3 =	sor.u32 s5, s3  }
0x4a: {  	s29 =	sor.u32 s26, s28;
	[tilespmem:s3+$0x2080] =	vst v0  }
0x4b: {  	v0 =	vld [tilespmem:s29+$0xB00]  }
0x4c: {  	v1 =	vld [tilespmem:s29+$0x900];
	_ =	sdelay $0x4  }
0x4d: {  	v0 =	vadd.f32 v0, v1  }
0x4e: {  	s30 =	simm.s32 $0x0;
	s31 =	simm.s32 $0x80;
	s4 =	simm.s32 $0x10  }
0x4f: {  	s9 =	sand.u32 $0x3FFFFE00, s30;
	s7 =	sand.u32 $0x3FFFFC00, s31;
	s6 =	simm.s32 $0x2;
	v0 =	vmul.f32 $5.000000000e-01, v0  }
0x50: {  	s5 =	sand.u32 $0x70, s4;
	s8 =	sor.u32 s26, s9;
	s3 =	simm.s32 $0x1  }
.LBB2_6:
0x51: {  	p0 =	sne.s32 s6, $0x2F;
	s7 =	sor.u32 s5, s7;
	[tilespmem:s8+$0x2100] =	vst v0;
	s8 =	smov.u32 s5  }
0x52: {  	v0 =	vld [tilespmem:s7+$0xB00]  }
0x53: {  	v1 =	vld [tilespmem:s7+$0x900];
	_ =	sdelay $0x3  }
.Ltmp3:
0x54: {  	(pc) =	sbr.rel @p0 .LBB2_6-.Ltmp3, $4  }
0x55: {  	v0 =	vadd.f32 v0, v1  }
0x56: {  	s4 =	sadd.s32 $0x10, s4;
	s7 =	sshll.u32 s3, $0x6;
	s3 =	smov.u32 s6  }
0x57: {  	s9 =	sshll.u32 s6, $0x7;
	s5 =	sand.u32 $0x70, s4;
	s10 =	sand.u32 $0x3FFFFE00, s7;
	v0 =	vmul.f32 $5.000000000e-01, v0  }
0x58: {  	s6 =	sadd.s32 $0x1, s6;
	s7 =	sand.u32 $0x3FFFFC00, s9;
	s8 =	sor.u32 s8, s10  }
0x59: {  	s4 =	sor.u32 s5, s7;
	[tilespmem:s8+$0x2100] =	vst v0  }
0x5a: {  	v0 =	vld [tilespmem:s4+$0xB00]  }
0x5b: {  	v1 =	vld [tilespmem:s4+$0x900];
	_ =	sdelay $0x4  }
0x5c: {  	v0 =	vadd.f32 v0, v1  }
0x5d: {  	s3 =	sshll.u32 s3, $0x6  }
0x5e: {  	s25 =	simm.s32 $0x0;
	s6 =	simm.s32 $0x0;
	s3 =	sand.u32 $0x3FFFFE00, s3;
	v0 =	vmul.f32 $5.000000000e-01, v0  }
0x5f: {  	s26 =	sand.u32 $0x70, s25;
	s28 =	sand.u32 $0x3FFFFC00, s6;
	s3 =	sor.u32 s5, s3  }
0x60: {  	s29 =	sor.u32 s26, s28;
	[tilespmem:s3+$0x2100] =	vst v0  }
0x61: {  	v0 =	vld [tilespmem:s29+$0xB80]  }
0x62: {  	v1 =	vld [tilespmem:s29+$0x980];
	_ =	sdelay $0x4  }
0x63: {  	s30 =	simm.s32 $0x0;
	v0 =	vadd.f32 v0, v1  }
0x64: {  	s31 =	simm.s32 $0x80;
	s4 =	simm.s32 $0x10;
	s9 =	sand.u32 $0x3FFFFE00, s30  }
0x65: {  	s7 =	sand.u32 $0x3FFFFC00, s31;
	s6 =	sand.u32 $0x70, s4;
	v0 =	vmul.f32 $5.000000000e-01, v0  }
0x66: {  	s5 =	simm.s32 $0x2;
	s8 =	sor.u32 s26, s9;
	s3 =	simm.s32 $0x1  }
.LBB2_8:
0x67: {  	p0 =	sne.s32 s5, $0x2F;
	s7 =	sor.u32 s6, s7;
	[tilespmem:s8+$0x2180] =	vst v0;
	s8 =	smov.u32 s6  }
0x68: {  	v0 =	vld [tilespmem:s7+$0xB80]  }
0x69: {  	v1 =	vld [tilespmem:s7+$0x980];
	_ =	sdelay $0x3  }
.Ltmp4:
0x6a: {  	(pc) =	sbr.rel @p0 .LBB2_8-.Ltmp4, $4  }
0x6b: {  	v0 =	vadd.f32 v0, v1  }
0x6c: {  	s4 =	sadd.s32 $0x10, s4;
	s7 =	sshll.u32 s3, $0x6;
	s3 =	smov.u32 s5  }
0x6d: {  	s9 =	sshll.u32 s5, $0x7;
	s6 =	sand.u32 $0x70, s4;
	s10 =	sand.u32 $0x3FFFFE00, s7;
	v0 =	vmul.f32 $5.000000000e-01, v0  }
0x6e: {  	s5 =	sadd.s32 $0x1, s5;
	s7 =	sand.u32 $0x3FFFFC00, s9;
	s8 =	sor.u32 s8, s10  }
0x6f: {  	s4 =	sor.u32 s6, s7;
	[tilespmem:s8+$0x2180] =	vst v0  }
0x70: {  	v0 =	vld [tilespmem:s4+$0xB80]  }
0x71: {  	v1 =	vld [tilespmem:s4+$0x980];
	_ =	sdelay $0x4  }
0x72: {  	v0 =	vadd.f32 v0, v1  }
0x73: {  	s3 =	sshll.u32 s3, $0x6  }
0x74: {  	s3 =	sand.u32 $0x3FFFFE00, s3;
	v0 =	vmul.f32 $5.000000000e-01, v0  }
0x75: {  	s29 =	simm.s32 $0x200;
	s3 =	sor.u32 s6, s3  }
0x76: {  	s30 =	simm.s32 $0x400;
	s5 =	simm.s32 $0x2000;
	s31 =	simm.s32 $0x2;
	[tilespmem:s3+$0x2180] =	vst v0  }
0x77: {  	[hbm4b:s2+s29] =	stream.strided.scatter [tilespmem:s5], [sflag:$0x2], $0xC00, s30, s29, $0x38;
	[tilespmem:$0x2C00] =	vst v63  }
0x78: {  	_ =	swait.ge [sflag:s31], $0xC00  }
0x79: {  	[sflag:s31] =	ssyncset.done $0x0  }
0x7a: {  	[sflag:s31] =	ssyncadd.s32 $0xFFFFF400  }
.LBB2_10:
0x7b: {  	_ =	sfence.sel $0x180000  }
0x7c: {  	[bflag:$0x0] =	sbarrier.arrive $0xFFFF  }
0x7d: {  	p0 =	sne.s32 s1, $0x0;
	_ =	strace $0x90000047  }
0x7e: {  	s0 =	sadd.s32 @!p0 $0x100000, s0;
	[bflag:$0x2] =	sbarrier.arrive $0xFFFF  }
0x7f: {  	[sflag:s0] =	ssyncadd.tile.s32 @!p0 $0x1;
	_ =	shalt  }
.Lfunc_end2:
_tile_overlayer_lowered:
.L_overlay_start_2:
0x80: {  	(tag) =	ssettag $0x2  }
0x81: {  	s0 =	rddreg [dreg:$0x0];
	s2 =	stileid.u32  }
0x82: {  	s1 =	rddreg [dreg:$0x1];
	p0 =	sne.s32 s2, $0x0  }
0x83: {  	s3 =	rddreg [dreg:$0x2];
	[bflag:$0x3] =	sbarrier.arrive $0xFFFF;
	s2 =	simm.s32 @!p0 $0x1C02  }
0x84: {  	[timem:s3], [sflag:s2] =	dma.local @!p0 [hbm:s0], s1  }
0x85: {  	s0 =	simm.s32 @!p0 $0x2  }
0x86: {  	_ =	swait.ge @!p0 [sflag:s0], s1  }
0x87: {  	s1 =	ssub.s32 @!p0 $0x0, s1;
	[sflag:s0] =	ssyncset.done @!p0 $0x0  }
0x88: {  	[sflag:s0] =	ssyncadd.s32 @!p0 s1  }
0x89: {  	[bflag:$0x3] =	sbarrier.arrive $0xFFFF  }
0x8a: {  	_ =	shalt  }

</sc_bundles>
